<compile_context>
chip_gen: v7x
topology: tpu7x:2x2x1
jax: 0.10.2.dev20260603
libtpu: 0.0.44.dev20260713+nightly
codegen_flags: <defaults>
</compile_context>

<pallas_src>
import functools

import numpy as np
import jax
import jax.numpy as jnp
from jax import lax
from jax.experimental import pallas as pl
from jax.experimental.pallas import tpu as pltpu
from jax.experimental.pallas import tpu_sc as plsc

B, L, WLEN = 1024, 50, 16
CV, D_CHAR, D_WORD, D_MODEL = 128, 64, 128, 128
N_TOK = B * L
W_VALID = WLEN - 4

NC, NS = 2, 16
NW = NC * NS
PER_W = N_TOK // NW
CH = 80
NCH = PER_W // CH


def _sc_word_gather(word_table, idx3):
    mesh = plsc.VectorSubcoreMesh(core_axis_name="c", subcore_axis_name="s")

    @functools.partial(
        pl.kernel,
        out_type=jax.ShapeDtypeStruct((N_TOK, D_WORD), jnp.float32),
        mesh=mesh,
        scratch_types=[
            pltpu.VMEM((NCH, CH), jnp.int32),
            pltpu.VMEM((CH, D_WORD), jnp.float32),
            pltpu.SemaphoreType.DMA,
        ],
    )
    def gather_kernel(table_hbm, idx_hbm, out_hbm, idx_v, rows_v, sem):
        wid = lax.axis_index("s") * NC + lax.axis_index("c")
        base = wid * PER_W
        pltpu.sync_copy(idx_hbm.at[wid], idx_v)

        def body(j, carry):
            pltpu.async_copy(table_hbm.at[idx_v.at[j]], rows_v, sem).wait()
            pltpu.sync_copy(rows_v, out_hbm.at[pl.ds(base + j * CH, CH)])
            return carry

        lax.fori_loop(0, NCH, body, 0)

    return gather_kernel(word_table, idx3)


TB = 2048
GRID = N_TOK // TB
TBM = 5120
GRIDM = N_TOK // TBM
LPB = TBM // B


def _pos_np():
    pos = np.arange(L)[:, None].astype(np.float64)
    i = np.arange(D_MODEL)[None, :].astype(np.float64)
    angle = pos / np.power(10000.0, (2.0 * (i // 2)) / D_MODEL)
    pe = np.where((np.arange(D_MODEL)[None, :] % 2) == 0,
                  np.sin(angle), np.cos(angle))
    return pe.astype(np.float32)


_POS = _pos_np()


def _tc_char_body(chars_ref, ctab_ref, cw_ref, cb_ref, cemb_ref):
    f32 = jnp.float32
    bf16 = jnp.bfloat16
    chars = chars_ref[...]
    cflat = chars.reshape(1, WLEN * TB)
    iota = lax.broadcasted_iota(jnp.int32, (CV, 1), 0)
    oht = (cflat == iota).astype(bf16)
    cw = cw_ref[...]
    ctab = ctab_ref[...]
    t_cat_t = jnp.concatenate(
        [lax.dot_general(cw[k], ctab, (((0,), (1,)), ((), ())),
                         preferred_element_type=f32)
         for k in range(5)], axis=0).astype(bf16)
    zt = jnp.dot(t_cat_t, oht, preferred_element_type=f32)
    yt = zt[0:D_CHAR, 0:W_VALID * TB]
    for k in range(1, 5):
        yt = yt + zt[k * D_CHAR:(k + 1) * D_CHAR, k * TB:(k + W_VALID) * TB]
    cembt = yt[:, 0:TB]
    for p in range(1, W_VALID):
        cembt = jnp.maximum(cembt, yt[:, p * TB:(p + 1) * TB])
    cemb_ref[...] = (cembt.T + cb_ref[...]).astype(bf16)


def _tc_mix_body(wemb_ref, cemb_ref, pw_ref, pb_ref,
                 wt0_ref, bt0_ref, wg0_ref, bg0_ref,
                 wt1_ref, bt1_ref, wg1_ref, bg1_ref,
                 pos_ref, out_ref):
    f32 = jnp.float32
    bf16 = jnp.bfloat16
    wemb = wemb_ref[...]
    pw = pw_ref[...]
    h = (jnp.dot(wemb.astype(bf16), pw[0:D_WORD].astype(bf16),
                 preferred_element_type=f32)
         + jnp.dot(cemb_ref[...].astype(bf16), pw[D_WORD:].astype(bf16),
                   preferred_element_type=f32)
         + pb_ref[...])
    for wt_ref, bt_ref, wg_ref, bg_ref in (
            (wt0_ref, bt0_ref, wg0_ref, bg0_ref),
            (wt1_ref, bt1_ref, wg1_ref, bg1_ref)):
        hb = h.astype(bf16)
        gate = jnp.dot(hb, wg_ref[...].astype(bf16),
                       preferred_element_type=f32) + bg_ref[...]
        gate = 1.0 / (1.0 + jnp.exp(-gate))
        tr = jnp.dot(hb, wt_ref[...].astype(bf16),
                     preferred_element_type=f32) + bt_ref[...]
        tr = jnp.maximum(tr, 0.0)
        h = gate * h + (1.0 - gate) * tr
    pos = jnp.broadcast_to(pos_ref[:, 0, :][:, None, :],
                           (LPB, B, D_MODEL)).reshape(TBM, D_MODEL)
    out_ref[...] = h + pos


def _tc_char_call(chars2, char_table, cconv_w, cconv_b):
    full = lambda *shape: pl.BlockSpec(shape, lambda i: (0,) * len(shape))
    return pl.pallas_call(
        _tc_char_body,
        grid=(GRID,),
        in_specs=[
            pl.BlockSpec((WLEN, TB), lambda i: (0, i)),
            full(CV, D_CHAR),
            full(5, D_CHAR, D_CHAR),
            full(1, D_CHAR),
        ],
        out_specs=pl.BlockSpec((TB, D_CHAR), lambda i: (i, 0)),
        out_shape=jax.ShapeDtypeStruct((N_TOK, D_CHAR), jnp.bfloat16),
        compiler_params=pltpu.CompilerParams(
            dimension_semantics=("parallel",)),
    )(chars2, char_table, cconv_w, cconv_b.reshape(1, D_CHAR))


def _tc_mix_call(wemb, cemb2, proj_w2, proj_b,
                 hw0_wt, hw0_bt, hw0_wg, hw0_bg, hw1_wt, hw1_bt, hw1_wg, hw1_bg):
    tok_spec = lambda w: pl.BlockSpec((TBM, w), lambda i: (i, 0))
    full = lambda *shape: pl.BlockSpec(shape, lambda i: (0,) * len(shape))
    return pl.pallas_call(
        _tc_mix_body,
        grid=(GRIDM,),
        in_specs=[
            tok_spec(D_WORD),
            tok_spec(D_CHAR),
            full(D_WORD + D_CHAR, D_MODEL),
            full(1, D_MODEL),
            full(D_MODEL, D_MODEL), full(1, D_MODEL),
            full(D_MODEL, D_MODEL), full(1, D_MODEL),
            full(D_MODEL, D_MODEL), full(1, D_MODEL),
            full(D_MODEL, D_MODEL), full(1, D_MODEL),
            pl.BlockSpec((LPB, 1, D_MODEL), lambda i: (i, 0, 0)),
        ],
        out_specs=tok_spec(D_MODEL),
        out_shape=jax.ShapeDtypeStruct((N_TOK, D_MODEL), jnp.float32),
        compiler_params=pltpu.CompilerParams(
            dimension_semantics=("parallel",)),
    )(wemb, cemb2, proj_w2, proj_b.reshape(1, D_MODEL),
      hw0_wt, hw0_bt.reshape(1, D_MODEL), hw0_wg, hw0_bg.reshape(1, D_MODEL),
      hw1_wt, hw1_bt.reshape(1, D_MODEL), hw1_wg, hw1_bg.reshape(1, D_MODEL),
      jnp.asarray(_POS).reshape(L, 1, D_MODEL))


def kernel(words, chars, word_table, char_table, cconv_w, cconv_b, proj_w,
           proj_b, hw0_wt, hw0_bt, hw0_wg, hw0_bg,
           hw1_wt, hw1_bt, hw1_wg, hw1_bg):
    idx3 = words.T.reshape(NW, NCH, CH)
    wemb = _sc_word_gather(word_table, idx3)
    chars2 = chars.transpose(2, 1, 0).reshape(WLEN, N_TOK)
    cemb2 = _tc_char_call(chars2, char_table, cconv_w, cconv_b)
    out2 = _tc_mix_call(wemb, cemb2,
                        proj_w.reshape(D_WORD + D_CHAR, D_MODEL), proj_b,
                        hw0_wt, hw0_bt, hw0_wg, hw0_bg,
                        hw1_wt, hw1_bt, hw1_wg, hw1_bg)
    return out2.reshape(L, B, D_MODEL).transpose(1, 0, 2)

# --- scband reference (transcript-rebuilt; emitter-appended) ---
"""Pipeline reference for scband-qanet-input-embedding-41927470744106 (READ-ONLY COPY).

The authoritative reference and input builder live on the scoring server;
editing this copy changes nothing except your own understanding.
"""

import jax, jax.numpy as jnp
import numpy as np

B, L, WLEN = 1024, 50, 16
WV, CV = 100000, 128
D_WORD, D_CHAR, D_MODEL = 128, 64, 128


def _pos_encoding(length, d):
    pos = np.arange(length)[:, None].astype(np.float64)
    i = np.arange(d)[None, :].astype(np.float64)
    angle = pos / np.power(10000.0, (2.0 * (i // 2)) / d)
    pe = np.where((np.arange(d)[None, :] % 2) == 0, np.sin(angle), np.cos(angle))
    return jnp.asarray(pe, jnp.float32)


def _conv1d(x, w, b):
    y = jax.lax.conv_general_dilated(x, w, window_strides=(1,), padding='VALID',
                                     dimension_numbers=('NWC', 'WIO', 'NWC'))
    return y + b


def setup_inputs(seed: int = 0) -> dict:
    key = jax.random.key(seed)
    ks = jax.random.split(key, 20)
    inp = {}
    inp['words'] = jax.random.randint(ks[0], (B, L), 0, WV, dtype=jnp.int64 if jax.config.jax_enable_x64 else jnp.int32).astype(jnp.int32)
    inp['chars'] = jax.random.randint(ks[1], (B, L, WLEN), 0, CV).astype(jnp.int32)
    inp['word_table'] = jax.random.normal(ks[2], (WV, D_WORD), jnp.float32) * 0.02
    inp['char_table'] = jax.random.normal(ks[3], (CV, D_CHAR), jnp.float32) * 0.02
    inp['cconv_w'] = jax.random.normal(ks[4], (5, D_CHAR, D_CHAR), jnp.float32) * 0.05
    inp['cconv_b'] = jnp.zeros((D_CHAR,), jnp.float32)
    inp['proj_w'] = jax.random.normal(ks[5], (1, D_WORD + D_CHAR, D_MODEL), jnp.float32) * 0.05
    inp['proj_b'] = jnp.zeros((D_MODEL,), jnp.float32)
    for li in range(2):
        inp[f'hw{li}_wt'] = jax.random.normal(ks[6 + 4 * li], (D_MODEL, D_MODEL), jnp.float32) * 0.05
        inp[f'hw{li}_bt'] = jnp.zeros((D_MODEL,), jnp.float32)
        inp[f'hw{li}_wg'] = jax.random.normal(ks[7 + 4 * li], (D_MODEL, D_MODEL), jnp.float32) * 0.05
        inp[f'hw{li}_bg'] = jnp.zeros((D_MODEL,), jnp.float32)
    return inp


def reference(words, chars, word_table, char_table, cconv_w, cconv_b, proj_w, proj_b,
              hw0_wt, hw0_bt, hw0_wg, hw0_bg, hw1_wt, hw1_bt, hw1_wg, hw1_bg):
    b, l = words.shape
    # word embedding lookup (gather)
    word_embedding = jnp.take(word_table, words, axis=0)  # [B, L, D_WORD]
    # char embedding lookup (gather)
    char_embedding = jnp.take(char_table, chars, axis=0)  # [B, L, WLEN, D_CHAR]
    char_embedding = char_embedding.reshape(b * l, WLEN, D_CHAR)
    char_embedding = _conv1d(char_embedding, cconv_w, cconv_b)  # [B*L, WLEN-4, D_CHAR]
    char_embedding = jnp.max(char_embedding, axis=-2)  # [B*L, D_CHAR]
    char_embedding = char_embedding.reshape(b, l, D_CHAR)
    embedding = jnp.concatenate((word_embedding, char_embedding), axis=-1)  # [B, L, 192]
    embedding = _conv1d(embedding, proj_w, proj_b)  # kernel-1 conv -> [B, L, D_MODEL]
    # two highway layers
    for wt, bt, wg, bg in ((hw0_wt, hw0_bt, hw0_wg, hw0_bg), (hw1_wt, hw1_bt, hw1_wg, hw1_bg)):
        gate = jax.nn.sigmoid(embedding @ wg + bg)
        transform = jax.nn.relu(embedding @ wt + bt)
        embedding = gate * embedding + (1.0 - gate) * transform
    # sinusoidal position embedding (additive)
    embedding = embedding + _pos_encoding(l, D_MODEL)[None, :, :]
    return embedding

if __name__ == "__main__":
    import jax
    _d = setup_inputs()
    print(jax.jit(kernel)(*tuple(_d.values())))

</pallas_src>

<mosaic_0001>
#map = affine_map<(d0, d1) -> (0, 0)>
#map1 = affine_map<(d0, d1) -> (0, 0, 0)>
module attributes {stable_mosaic.version = 14 : i64} {
  func.func @gather_kernel(%arg0: i32, %arg1: i32, %arg2: memref<100000x128xf32, #tpu.memory_space<hbm>>, %arg3: memref<32x20x80xi32, #tpu.memory_space<hbm>>, %arg4: memref<51200x128xf32, #tpu.memory_space<hbm>>, %arg5: memref<20x80xi32, #tpu.memory_space<vmem>>, %arg6: memref<80x128xf32, #tpu.memory_space<vmem>>, %arg7: memref<!tpu.dma_semaphore, #tpu.memory_space<semaphore_mem>>) attributes {dimension_semantics = [#tpu.dimension_semantics<core_parallel>, #tpu.dimension_semantics<subcore_parallel>], iteration_bounds = array<i64: 2, 16>, scalar_prefetch = 0 : i64, scratch_operands = 3 : i64, tpu.core_type = #tpu.core_type<sc_vector_subcore>, window_params = [{transform_indices = #map}, {transform_indices = #map1}, {transform_indices = #map}]} {
    %mul3A = arith.constant 2 : i32
    %mul3A_0 = arith.muli %arg1, %mul3A : i32
    %add3A = arith.addi %mul3A_0, %arg0 : i32
    %mul3A_1 = arith.constant 1600 : i32
    %mul3A_2 = arith.muli %add3A, %mul3A_1 : i32
    "tpu.region"() ({
      %run_scoped3A = tpu.sem_alloc : memref<!tpu.dma_semaphore, #tpu.memory_space<semaphore_mem>>
      %dma_start3A = arith.constant 0 : i32
      %dma_start3A_8 = arith.constant 0 : i32
      %dma_start3A_9 = tpu.memref_slice %arg3[%add3A, %dma_start3A, %dma_start3A_8] : memref<32x20x80xi32, #tpu.memory_space<hbm>> -> memref<1x20x80xi32, #tpu.memory_space<hbm>>
      %dma_start3A_10 = tpu.memref_squeeze %dma_start3A_9 : memref<1x20x80xi32, #tpu.memory_space<hbm>> -> memref<20x80xi32, #tpu.memory_space<hbm>>
      %dma_start3A_11 = arith.constant 0 : i32
      %dma_start3A_12 = arith.constant 0 : i32
      %dma_start3A_13 = tpu.memref_slice %arg3[%add3A, %dma_start3A_11, %dma_start3A_12] : memref<32x20x80xi32, #tpu.memory_space<hbm>> -> memref<1x20x80xi32, #tpu.memory_space<hbm>>
      %dma_start3A_14 = tpu.memref_squeeze %dma_start3A_13 : memref<1x20x80xi32, #tpu.memory_space<hbm>> -> memref<20x80xi32, #tpu.memory_space<hbm>>
      tpu.enqueue_dma source(%dma_start3A_14 : memref<20x80xi32, #tpu.memory_space<hbm>>) target(%arg5 : memref<20x80xi32, #tpu.memory_space<vmem>>) target_semaphore(%run_scoped3A : memref<!tpu.dma_semaphore, #tpu.memory_space<semaphore_mem>>)
      %dma_wait3A = arith.constant 0 : i32
      %dma_wait3A_15 = arith.constant 0 : i32
      %dma_wait3A_16 = tpu.memref_slice %arg3[%add3A, %dma_wait3A, %dma_wait3A_15] : memref<32x20x80xi32, #tpu.memory_space<hbm>> -> memref<1x20x80xi32, #tpu.memory_space<hbm>>
      %dma_wait3A_17 = tpu.memref_squeeze %dma_wait3A_16 : memref<1x20x80xi32, #tpu.memory_space<hbm>> -> memref<20x80xi32, #tpu.memory_space<hbm>>
      %dma_wait3A_18 = arith.constant 0 : i32
      %dma_wait3A_19 = arith.constant 0 : i32
      %dma_wait3A_20 = tpu.memref_slice %arg3[%add3A, %dma_wait3A_18, %dma_wait3A_19] : memref<32x20x80xi32, #tpu.memory_space<hbm>> -> memref<1x20x80xi32, #tpu.memory_space<hbm>>
      %dma_wait3A_21 = tpu.memref_squeeze %dma_wait3A_20 : memref<1x20x80xi32, #tpu.memory_space<hbm>> -> memref<20x80xi32, #tpu.memory_space<hbm>>
      tpu.wait_dma2 semaphore(%run_scoped3A : memref<!tpu.dma_semaphore, #tpu.memory_space<semaphore_mem>>) src(%dma_wait3A_21 : memref<20x80xi32, #tpu.memory_space<hbm>>) dst(%arg5 : memref<20x80xi32, #tpu.memory_space<vmem>>)
      tpu.yield
    }) : () -> ()
    %scan3A = arith.constant 0 : i32
    %scan3A_3 = arith.constant 0 : i32
    %scan3A_4 = arith.constant 20 : i32
    %scan3A_5 = arith.addi %scan3A_3, %scan3A_4 : i32
    %scan3A_6 = arith.constant 1 : i32
    scf.for %scan3A_8 = %scan3A_3 to %scan3A_5 step %scan3A_6  : i32 {
      %dma_start3A = arith.constant 0 : i32
      %dma_start3A_9 = tpu.memref_slice %arg5[%scan3A_8, %dma_start3A] : memref<20x80xi32, #tpu.memory_space<vmem>> -> memref<1x80xi32, #tpu.memory_space<vmem>>
      %dma_start3A_10 = tpu.memref_squeeze %dma_start3A_9 : memref<1x80xi32, #tpu.memory_space<vmem>> -> memref<80xi32, #tpu.memory_space<vmem>>
      %dma_start3A_11 = arith.constant 0 : i32
      %dma_start3A_12 = arith.constant 0 : i32
      %dma_start3A_13 = tpu.memref_slice %arg2[%dma_start3A_11, %dma_start3A_12] : memref<100000x128xf32, #tpu.memory_space<hbm>> -> memref<100000x128xf32, #tpu.memory_space<hbm>>
      tpu.enqueue_indirect_dma source(%dma_start3A_13 : memref<100000x128xf32, #tpu.memory_space<hbm>>) target(%arg6 : memref<80x128xf32, #tpu.memory_space<vmem>>) offsets(%dma_start3A_10 : memref<80xi32, #tpu.memory_space<vmem>>) semaphore(%arg7 : memref<!tpu.dma_semaphore, #tpu.memory_space<semaphore_mem>>)
      %dma_wait3A = arith.constant 0 : i32
      %dma_wait3A_14 = tpu.memref_slice %arg5[%scan3A_8, %dma_wait3A] : memref<20x80xi32, #tpu.memory_space<vmem>> -> memref<1x80xi32, #tpu.memory_space<vmem>>
      %dma_wait3A_15 = tpu.memref_squeeze %dma_wait3A_14 : memref<1x80xi32, #tpu.memory_space<vmem>> -> memref<80xi32, #tpu.memory_space<vmem>>
      %dma_wait3A_16 = arith.constant 0 : i32
      %dma_wait3A_17 = arith.constant 0 : i32
      %dma_wait3A_18 = tpu.memref_slice %arg2[%dma_wait3A_16, %dma_wait3A_17] : memref<100000x128xf32, #tpu.memory_space<hbm>> -> memref<100000x128xf32, #tpu.memory_space<hbm>>
      tpu.wait_indirect_dma semaphore(%arg7 : memref<!tpu.dma_semaphore, #tpu.memory_space<semaphore_mem>>) src(%dma_wait3A_18 : memref<100000x128xf32, #tpu.memory_space<hbm>>) dst(%arg6 : memref<80x128xf32, #tpu.memory_space<vmem>>)
      %mul3A_19 = arith.constant 80 : i32
      %mul3A_20 = arith.muli %scan3A_8, %mul3A_19 : i32
      %add3A_21 = arith.addi %mul3A_2, %mul3A_20 : i32
      "tpu.region"() ({
        %run_scoped3A = tpu.sem_alloc : memref<!tpu.dma_semaphore, #tpu.memory_space<semaphore_mem>>
        %dma_start3A_22 = arith.constant 0 : i32
        %dma_start3A_23 = tpu.memref_slice %arg4[%add3A_21, %dma_start3A_22] : memref<51200x128xf32, #tpu.memory_space<hbm>> -> memref<80x128xf32, #tpu.memory_space<hbm>>
        %dma_start3A_24 = arith.constant 0 : i32
        %dma_start3A_25 = tpu.memref_slice %arg4[%add3A_21, %dma_start3A_24] : memref<51200x128xf32, #tpu.memory_space<hbm>> -> memref<80x128xf32, #tpu.memory_space<hbm>>
        tpu.enqueue_dma source(%arg6 : memref<80x128xf32, #tpu.memory_space<vmem>>) target(%dma_start3A_25 : memref<80x128xf32, #tpu.memory_space<hbm>>) target_semaphore(%run_scoped3A : memref<!tpu.dma_semaphore, #tpu.memory_space<semaphore_mem>>)
        %dma_wait3A_26 = arith.constant 0 : i32
        %dma_wait3A_27 = tpu.memref_slice %arg4[%add3A_21, %dma_wait3A_26] : memref<51200x128xf32, #tpu.memory_space<hbm>> -> memref<80x128xf32, #tpu.memory_space<hbm>>
        %dma_wait3A_28 = arith.constant 0 : i32
        %dma_wait3A_29 = tpu.memref_slice %arg4[%add3A_21, %dma_wait3A_28] : memref<51200x128xf32, #tpu.memory_space<hbm>> -> memref<80x128xf32, #tpu.memory_space<hbm>>
        tpu.wait_dma2 semaphore(%run_scoped3A : memref<!tpu.dma_semaphore, #tpu.memory_space<semaphore_mem>>) src(%arg6 : memref<80x128xf32, #tpu.memory_space<vmem>>) dst(%dma_wait3A_29 : memref<80x128xf32, #tpu.memory_space<hbm>>)
        tpu.yield
      }) : () -> ()
    }
    %scan3A_7 = arith.constant 20 : i32
    return
  }
}

module attributes {stable_mosaic.version = 14 : i64} {
  func.func @_tc_char_body(%arg0: i32, %arg1: memref<16x2048xi32, #tpu.memory_space<vmem>>, %arg2: memref<128x64xf32, #tpu.memory_space<vmem>>, %arg3: memref<5x64x64xf32, #tpu.memory_space<vmem>>, %arg4: memref<1x64xf32, #tpu.memory_space<vmem>>, %arg5: memref<2048x64xbf16, #tpu.memory_space<vmem>>) attributes {dimension_semantics = [#tpu.dimension_semantics<parallel>], iteration_bounds = array<i64: 25>, scalar_prefetch = 0 : i64, scratch_operands = 0 : i64, tpu.core_type = #tpu.core_type<tc>, window_params = [{transform_indices = @transform_0, window_bounds = array<i64: 16, 2048>}, {pipeline_mode = #tpu.pipeline_mode<synchronous>, transform_indices = @transform_1, window_bounds = array<i64: 128, 64>}, {pipeline_mode = #tpu.pipeline_mode<synchronous>, transform_indices = @transform_2, window_bounds = array<i64: 5, 64, 64>}, {pipeline_mode = #tpu.pipeline_mode<synchronous>, transform_indices = @transform_3, window_bounds = array<i64: 1, 64>}, {transform_indices = @transform_4, window_bounds = array<i64: 2048, 64>}]} {
    %get3A = arith.constant 0 : index
    %get3A_0 = arith.constant 0 : index
    %get3A_1 = vector.load %arg1[%get3A, %get3A_0] : memref<16x2048xi32, #tpu.memory_space<vmem>>, vector<16x2048xi32>
    %reshape3A = vector.shape_cast %get3A_1 : vector<16x2048xi32> to vector<1x32768xi32>
    %iota3A = tpu.iota {dimensions = array<i32: 0>} : vector<128x1xi32>
    %eq3A = vector.broadcast %reshape3A : vector<1x32768xi32> to vector<128x32768xi32>
    %eq3A_2 = vector.broadcast %iota3A : vector<128x1xi32> to vector<128x32768xi32>
    %eq3A_3 = arith.cmpi eq, %eq3A, %eq3A_2 : vector<128x32768xi32>
    %convert_element_type3A = arith.extui %eq3A_3 : vector<128x32768xi1> to vector<128x32768xi32>
    %convert_element_type3A_4 = arith.sitofp %convert_element_type3A : vector<128x32768xi32> to vector<128x32768xf32>
    %convert_element_type3A_5 = arith.truncf %convert_element_type3A_4 : vector<128x32768xf32> to vector<128x32768xbf16>
    %get3A_6 = arith.constant 0 : index
    %get3A_7 = arith.constant 0 : index
    %get3A_8 = arith.constant 0 : index
    %get3A_9 = vector.load %arg3[%get3A_6, %get3A_7, %get3A_8] : memref<5x64x64xf32, #tpu.memory_space<vmem>>, vector<5x64x64xf32>
    %get3A_10 = arith.constant 0 : index
    %get3A_11 = arith.constant 0 : index
    %get3A_12 = vector.load %arg2[%get3A_10, %get3A_11] : memref<128x64xf32, #tpu.memory_space<vmem>>, vector<128x64xf32>
    %slice3A = vector.extract_strided_slice %get3A_9 {offsets = [0, 0, 0], sizes = [1, 64, 64], strides = [1, 1, 1]} : vector<5x64x64xf32> to vector<1x64x64xf32>
    %squeeze3A = vector.shape_cast %slice3A : vector<1x64x64xf32> to vector<64x64xf32>
    %dot_general3A = arith.constant dense<0.000000e+00> : vector<64x128xf32>
    %dot_general3A_13 = tpu.matmul %squeeze3A, %get3A_12, %dot_general3A {dimension_numbers = #tpu.dot_dimension_numbers<[0], [1], [1], [0], [0, 1, 1, 0], [], []>, transpose_lhs_hint = false} : vector<64x64xf32>, vector<128x64xf32>, vector<64x128xf32> -> vector<64x128xf32>
    %slice3A_14 = vector.extract_strided_slice %get3A_9 {offsets = [1, 0, 0], sizes = [1, 64, 64], strides = [1, 1, 1]} : vector<5x64x64xf32> to vector<1x64x64xf32>
    %squeeze3A_15 = vector.shape_cast %slice3A_14 : vector<1x64x64xf32> to vector<64x64xf32>
    %dot_general3A_16 = arith.constant dense<0.000000e+00> : vector<64x128xf32>
    %dot_general3A_17 = tpu.matmul %squeeze3A_15, %get3A_12, %dot_general3A_16 {dimension_numbers = #tpu.dot_dimension_numbers<[0], [1], [1], [0], [0, 1, 1, 0], [], []>, transpose_lhs_hint = false} : vector<64x64xf32>, vector<128x64xf32>, vector<64x128xf32> -> vector<64x128xf32>
    %slice3A_18 = vector.extract_strided_slice %get3A_9 {offsets = [2, 0, 0], sizes = [1, 64, 64], strides = [1, 1, 1]} : vector<5x64x64xf32> to vector<1x64x64xf32>
    %squeeze3A_19 = vector.shape_cast %slice3A_18 : vector<1x64x64xf32> to vector<64x64xf32>
    %dot_general3A_20 = arith.constant dense<0.000000e+00> : vector<64x128xf32>
    %dot_general3A_21 = tpu.matmul %squeeze3A_19, %get3A_12, %dot_general3A_20 {dimension_numbers = #tpu.dot_dimension_numbers<[0], [1], [1], [0], [0, 1, 1, 0], [], []>, transpose_lhs_hint = false} : vector<64x64xf32>, vector<128x64xf32>, vector<64x128xf32> -> vector<64x128xf32>
    %slice3A_22 = vector.extract_strided_slice %get3A_9 {offsets = [3, 0, 0], sizes = [1, 64, 64], strides = [1, 1, 1]} : vector<5x64x64xf32> to vector<1x64x64xf32>
    %squeeze3A_23 = vector.shape_cast %slice3A_22 : vector<1x64x64xf32> to vector<64x64xf32>
    %dot_general3A_24 = arith.constant dense<0.000000e+00> : vector<64x128xf32>
    %dot_general3A_25 = tpu.matmul %squeeze3A_23, %get3A_12, %dot_general3A_24 {dimension_numbers = #tpu.dot_dimension_numbers<[0], [1], [1], [0], [0, 1, 1, 0], [], []>, transpose_lhs_hint = false} : vector<64x64xf32>, vector<128x64xf32>, vector<64x128xf32> -> vector<64x128xf32>
    %slice3A_26 = vector.extract_strided_slice %get3A_9 {offsets = [4, 0, 0], sizes = [1, 64, 64], strides = [1, 1, 1]} : vector<5x64x64xf32> to vector<1x64x64xf32>
    %squeeze3A_27 = vector.shape_cast %slice3A_26 : vector<1x64x64xf32> to vector<64x64xf32>
    %dot_general3A_28 = arith.constant dense<0.000000e+00> : vector<64x128xf32>
    %dot_general3A_29 = tpu.matmul %squeeze3A_27, %get3A_12, %dot_general3A_28 {dimension_numbers = #tpu.dot_dimension_numbers<[0], [1], [1], [0], [0, 1, 1, 0], [], []>, transpose_lhs_hint = false} : vector<64x64xf32>, vector<128x64xf32>, vector<64x128xf32> -> vector<64x128xf32>
    %concatenate3A = tpu.concatenate %dot_general3A_13, %dot_general3A_17, %dot_general3A_21, %dot_general3A_25, %dot_general3A_29 in 0 : vector<64x128xf32>, vector<64x128xf32>, vector<64x128xf32>, vector<64x128xf32>, vector<64x128xf32> -> vector<320x128xf32>
    %convert_element_type3A_30 = arith.truncf %concatenate3A : vector<320x128xf32> to vector<320x128xbf16>
    %dot_general3A_31 = arith.constant dense<0.000000e+00> : vector<320x32768xf32>
    %dot_general3A_32 = tpu.matmul %convert_element_type3A_30, %convert_element_type3A_5, %dot_general3A_31 {dimension_numbers = #tpu.dot_dimension_numbers<[1], [0], [0], [1], [0, 0, 1, 1], [], []>, transpose_lhs_hint = false} : vector<320x128xbf16>, vector<128x32768xbf16>, vector<320x32768xf32> -> vector<320x32768xf32>
    %slice3A_33 = vector.extract_strided_slice %dot_general3A_32 {offsets = [0, 0], sizes = [64, 24576], strides = [1, 1]} : vector<320x32768xf32> to vector<64x24576xf32>
    %slice3A_34 = vector.extract_strided_slice %dot_general3A_32 {offsets = [64, 2048], sizes = [64, 24576], strides = [1, 1]} : vector<320x32768xf32> to vector<64x24576xf32>
    %add3A = arith.addf %slice3A_33, %slice3A_34 : vector<64x24576xf32>
    %slice3A_35 = vector.extract_strided_slice %dot_general3A_32 {offsets = [128, 4096], sizes = [64, 24576], strides = [1, 1]} : vector<320x32768xf32> to vector<64x24576xf32>
    %add3A_36 = arith.addf %add3A, %slice3A_35 : vector<64x24576xf32>
    %slice3A_37 = vector.extract_strided_slice %dot_general3A_32 {offsets = [192, 6144], sizes = [64, 24576], strides = [1, 1]} : vector<320x32768xf32> to vector<64x24576xf32>
    %add3A_38 = arith.addf %add3A_36, %slice3A_37 : vector<64x24576xf32>
    %slice3A_39 = vector.extract_strided_slice %dot_general3A_32 {offsets = [256, 8192], sizes = [64, 24576], strides = [1, 1]} : vector<320x32768xf32> to vector<64x24576xf32>
    %add3A_40 = arith.addf %add3A_38, %slice3A_39 : vector<64x24576xf32>
    %slice3A_41 = vector.extract_strided_slice %add3A_40 {offsets = [0, 0], sizes = [64, 2048], strides = [1, 1]} : vector<64x24576xf32> to vector<64x2048xf32>
    %slice3A_42 = vector.extract_strided_slice %add3A_40 {offsets = [0, 2048], sizes = [64, 2048], strides = [1, 1]} : vector<64x24576xf32> to vector<64x2048xf32>
    %max3A = arith.maximumf %slice3A_41, %slice3A_42 : vector<64x2048xf32>
    %slice3A_43 = vector.extract_strided_slice %add3A_40 {offsets = [0, 4096], sizes = [64, 2048], strides = [1, 1]} : vector<64x24576xf32> to vector<64x2048xf32>
    %max3A_44 = arith.maximumf %max3A, %slice3A_43 : vector<64x2048xf32>
    %slice3A_45 = vector.extract_strided_slice %add3A_40 {offsets = [0, 6144], sizes = [64, 2048], strides = [1, 1]} : vector<64x24576xf32> to vector<64x2048xf32>
    %max3A_46 = arith.maximumf %max3A_44, %slice3A_45 : vector<64x2048xf32>
    %slice3A_47 = vector.extract_strided_slice %add3A_40 {offsets = [0, 8192], sizes = [64, 2048], strides = [1, 1]} : vector<64x24576xf32> to vector<64x2048xf32>
    %max3A_48 = arith.maximumf %max3A_46, %slice3A_47 : vector<64x2048xf32>
    %slice3A_49 = vector.extract_strided_slice %add3A_40 {offsets = [0, 10240], sizes = [64, 2048], strides = [1, 1]} : vector<64x24576xf32> to vector<64x2048xf32>
    %max3A_50 = arith.maximumf %max3A_48, %slice3A_49 : vector<64x2048xf32>
    %slice3A_51 = vector.extract_strided_slice %add3A_40 {offsets = [0, 12288], sizes = [64, 2048], strides = [1, 1]} : vector<64x24576xf32> to vector<64x2048xf32>
    %max3A_52 = arith.maximumf %max3A_50, %slice3A_51 : vector<64x2048xf32>
    %slice3A_53 = vector.extract_strided_slice %add3A_40 {offsets = [0, 14336], sizes = [64, 2048], strides = [1, 1]} : vector<64x24576xf32> to vector<64x2048xf32>
    %max3A_54 = arith.maximumf %max3A_52, %slice3A_53 : vector<64x2048xf32>
    %slice3A_55 = vector.extract_strided_slice %add3A_40 {offsets = [0, 16384], sizes = [64, 2048], strides = [1, 1]} : vector<64x24576xf32> to vector<64x2048xf32>
    %max3A_56 = arith.maximumf %max3A_54, %slice3A_55 : vector<64x2048xf32>
    %slice3A_57 = vector.extract_strided_slice %add3A_40 {offsets = [0, 18432], sizes = [64, 2048], strides = [1, 1]} : vector<64x24576xf32> to vector<64x2048xf32>
    %max3A_58 = arith.maximumf %max3A_56, %slice3A_57 : vector<64x2048xf32>
    %slice3A_59 = vector.extract_strided_slice %add3A_40 {offsets = [0, 20480], sizes = [64, 2048], strides = [1, 1]} : vector<64x24576xf32> to vector<64x2048xf32>
    %max3A_60 = arith.maximumf %max3A_58, %slice3A_59 : vector<64x2048xf32>
    %slice3A_61 = vector.extract_strided_slice %add3A_40 {offsets = [0, 22528], sizes = [64, 2048], strides = [1, 1]} : vector<64x24576xf32> to vector<64x2048xf32>
    %max3A_62 = arith.maximumf %max3A_60, %slice3A_61 : vector<64x2048xf32>
    %transpose3A = tpu.transpose %max3A_62, [1, 0] : vector<64x2048xf32> -> vector<2048x64xf32>
    %get3A_63 = arith.constant 0 : index
    %get3A_64 = arith.constant 0 : index
    %get3A_65 = vector.load %arg4[%get3A_63, %get3A_64] : memref<1x64xf32, #tpu.memory_space<vmem>>, vector<1x64xf32>
    %add3A_66 = vector.broadcast %get3A_65 : vector<1x64xf32> to vector<2048x64xf32>
    %add3A_67 = arith.addf %transpose3A, %add3A_66 : vector<2048x64xf32>
    %convert_element_type3A_68 = arith.truncf %add3A_67 : vector<2048x64xf32> to vector<2048x64xbf16>
    %swap3A = arith.constant 0 : index
    %swap3A_69 = arith.constant 0 : index
    %swap3A_70 = vector.load %arg5[%swap3A, %swap3A_69] : memref<2048x64xbf16, #tpu.memory_space<vmem>>, vector<2048x64xbf16>
    tpu.vector_store %arg5[%swap3A, %swap3A_69], %convert_element_type3A_68 {strides = array<i32>} : memref<2048x64xbf16, #tpu.memory_space<vmem>>, vector<2048x64xbf16>,
    return
  }
  func.func @transform_0(%arg0: i32) -> (i32, i32) {
    %c0_i32 = arith.constant 0 : i32
    %c0_i32_0 = arith.constant 0 : i32
    return %c0_i32, %arg0 : i32, i32
  }
  func.func @transform_1(%arg0: i32) -> (i32, i32) {
    %c0_i32 = arith.constant 0 : i32
    %c0_i32_0 = arith.constant 0 : i32
    %c0_i32_1 = arith.constant 0 : i32
    return %c0_i32, %c0_i32_0 : i32, i32
  }
  func.func @transform_2(%arg0: i32) -> (i32, i32, i32) {
    %c0_i32 = arith.constant 0 : i32
    %c0_i32_0 = arith.constant 0 : i32
    %c0_i32_1 = arith.constant 0 : i32
    %c0_i32_2 = arith.constant 0 : i32
    return %c0_i32, %c0_i32_0, %c0_i32_1 : i32, i32, i32
  }
  func.func @transform_3(%arg0: i32) -> (i32, i32) {
    %c0_i32 = arith.constant 0 : i32
    %c0_i32_0 = arith.constant 0 : i32
    %c0_i32_1 = arith.constant 0 : i32
    return %c0_i32, %c0_i32_0 : i32, i32
  }
  func.func @transform_4(%arg0: i32) -> (i32, i32) {
    %c0_i32 = arith.constant 0 : i32
    %c0_i32_0 = arith.constant 0 : i32
    return %arg0, %c0_i32 : i32, i32
  }
}

module attributes {stable_mosaic.version = 14 : i64} {
  func.func @_tc_mix_body(%arg0: i32, %arg1: memref<5120x128xf32, #tpu.memory_space<vmem>>, %arg2: memref<5120x64xbf16, #tpu.memory_space<vmem>>, %arg3: memref<192x128xf32, #tpu.memory_space<vmem>>, %arg4: memref<1x128xf32, #tpu.memory_space<vmem>>, %arg5: memref<128x128xf32, #tpu.memory_space<vmem>>, %arg6: memref<1x128xf32, #tpu.memory_space<vmem>>, %arg7: memref<128x128xf32, #tpu.memory_space<vmem>>, %arg8: memref<1x128xf32, #tpu.memory_space<vmem>>, %arg9: memref<128x128xf32, #tpu.memory_space<vmem>>, %arg10: memref<1x128xf32, #tpu.memory_space<vmem>>, %arg11: memref<128x128xf32, #tpu.memory_space<vmem>>, %arg12: memref<1x128xf32, #tpu.memory_space<vmem>>, %arg13: memref<5x1x128xf32, #tpu.memory_space<vmem>>, %arg14: memref<5120x128xf32, #tpu.memory_space<vmem>>) attributes {dimension_semantics = [#tpu.dimension_semantics<parallel>], iteration_bounds = array<i64: 10>, scalar_prefetch = 0 : i64, scratch_operands = 0 : i64, tpu.core_type = #tpu.core_type<tc>, window_params = [{transform_indices = @transform_0, window_bounds = array<i64: 5120, 128>}, {transform_indices = @transform_1, window_bounds = array<i64: 5120, 64>}, {pipeline_mode = #tpu.pipeline_mode<synchronous>, transform_indices = @transform_2, window_bounds = array<i64: 192, 128>}, {pipeline_mode = #tpu.pipeline_mode<synchronous>, transform_indices = @transform_3, window_bounds = array<i64: 1, 128>}, {pipeline_mode = #tpu.pipeline_mode<synchronous>, transform_indices = @transform_4, window_bounds = array<i64: 128, 128>}, {pipeline_mode = #tpu.pipeline_mode<synchronous>, transform_indices = @transform_5, window_bounds = array<i64: 1, 128>}, {pipeline_mode = #tpu.pipeline_mode<synchronous>, transform_indices = @transform_6, window_bounds = array<i64: 128, 128>}, {pipeline_mode = #tpu.pipeline_mode<synchronous>, transform_indices = @transform_7, window_bounds = array<i64: 1, 128>}, {pipeline_mode = #tpu.pipeline_mode<synchronous>, transform_indices = @transform_8, window_bounds = array<i64: 128, 128>}, {pipeline_mode = #tpu.pipeline_mode<synchronous>, transform_indices = @transform_9, window_bounds = array<i64: 1, 128>}, {pipeline_mode = #tpu.pipeline_mode<synchronous>, transform_indices = @transform_10, window_bounds = array<i64: 128, 128>}, {pipeline_mode = #tpu.pipeline_mode<synchronous>, transform_indices = @transform_11, window_bounds = array<i64: 1, 128>}, {transform_indices = @transform_12, window_bounds = array<i64: 5, 1, 128>}, {transform_indices = @transform_13, window_bounds = array<i64: 5120, 128>}]} {
    %get3A = arith.constant 0 : index
    %get3A_0 = arith.constant 0 : index
    %get3A_1 = vector.load %arg1[%get3A, %get3A_0] : memref<5120x128xf32, #tpu.memory_space<vmem>>, vector<5120x128xf32>
    %get3A_2 = arith.constant 0 : index
    %get3A_3 = arith.constant 0 : index
    %get3A_4 = vector.load %arg3[%get3A_2, %get3A_3] : memref<192x128xf32, #tpu.memory_space<vmem>>, vector<192x128xf32>
    %convert_element_type3A = arith.truncf %get3A_1 : vector<5120x128xf32> to vector<5120x128xbf16>
    %slice3A = vector.extract_strided_slice %get3A_4 {offsets = [0, 0], sizes = [128, 128], strides = [1, 1]} : vector<192x128xf32> to vector<128x128xf32>
    %convert_element_type3A_5 = arith.truncf %slice3A : vector<128x128xf32> to vector<128x128xbf16>
    %dot_general3A = arith.constant dense<0.000000e+00> : vector<5120x128xf32>
    %dot_general3A_6 = tpu.matmul %convert_element_type3A, %convert_element_type3A_5, %dot_general3A {dimension_numbers = #tpu.dot_dimension_numbers<[1], [0], [0], [1], [0, 0, 1, 1], [], []>, transpose_lhs_hint = false} : vector<5120x128xbf16>, vector<128x128xbf16>, vector<5120x128xf32> -> vector<5120x128xf32>
    %get3A_7 = arith.constant 0 : index
    %get3A_8 = arith.constant 0 : index
    %get3A_9 = vector.load %arg2[%get3A_7, %get3A_8] : memref<5120x64xbf16, #tpu.memory_space<vmem>>, vector<5120x64xbf16>
    %slice3A_10 = vector.extract_strided_slice %get3A_4 {offsets = [128, 0], sizes = [64, 128], strides = [1, 1]} : vector<192x128xf32> to vector<64x128xf32>
    %convert_element_type3A_11 = arith.truncf %slice3A_10 : vector<64x128xf32> to vector<64x128xbf16>
    %dot_general3A_12 = arith.constant dense<0.000000e+00> : vector<5120x128xf32>
    %dot_general3A_13 = tpu.matmul %get3A_9, %convert_element_type3A_11, %dot_general3A_12 {dimension_numbers = #tpu.dot_dimension_numbers<[1], [0], [0], [1], [0, 0, 1, 1], [], []>, transpose_lhs_hint = false} : vector<5120x64xbf16>, vector<64x128xbf16>, vector<5120x128xf32> -> vector<5120x128xf32>
    %add3A = arith.addf %dot_general3A_6, %dot_general3A_13 : vector<5120x128xf32>
    %get3A_14 = arith.constant 0 : index
    %get3A_15 = arith.constant 0 : index
    %get3A_16 = vector.load %arg4[%get3A_14, %get3A_15] : memref<1x128xf32, #tpu.memory_space<vmem>>, vector<1x128xf32>
    %add3A_17 = vector.broadcast %get3A_16 : vector<1x128xf32> to vector<5120x128xf32>
    %add3A_18 = arith.addf %add3A, %add3A_17 : vector<5120x128xf32>
    %convert_element_type3A_19 = arith.truncf %add3A_18 : vector<5120x128xf32> to vector<5120x128xbf16>
    %get3A_20 = arith.constant 0 : index
    %get3A_21 = arith.constant 0 : index
    %get3A_22 = vector.load %arg7[%get3A_20, %get3A_21] : memref<128x128xf32, #tpu.memory_space<vmem>>, vector<128x128xf32>
    %convert_element_type3A_23 = arith.truncf %get3A_22 : vector<128x128xf32> to vector<128x128xbf16>
    %dot_general3A_24 = arith.constant dense<0.000000e+00> : vector<5120x128xf32>
    %dot_general3A_25 = tpu.matmul %convert_element_type3A_19, %convert_element_type3A_23, %dot_general3A_24 {dimension_numbers = #tpu.dot_dimension_numbers<[1], [0], [0], [1], [0, 0, 1, 1], [], []>, transpose_lhs_hint = false} : vector<5120x128xbf16>, vector<128x128xbf16>, vector<5120x128xf32> -> vector<5120x128xf32>
    %get3A_26 = arith.constant 0 : index
    %get3A_27 = arith.constant 0 : index
    %get3A_28 = vector.load %arg8[%get3A_26, %get3A_27] : memref<1x128xf32, #tpu.memory_space<vmem>>, vector<1x128xf32>
    %add3A_29 = vector.broadcast %get3A_28 : vector<1x128xf32> to vector<5120x128xf32>
    %add3A_30 = arith.addf %dot_general3A_25, %add3A_29 : vector<5120x128xf32>
    %neg3A = arith.constant 0.000000e+00 : f32
    %neg3A_31 = vector.broadcast %neg3A : f32 to vector<5120x128xf32>
    %neg3A_32 = arith.subf %neg3A_31, %add3A_30 : vector<5120x128xf32>
    %exp3A = math.exp %neg3A_32 : vector<5120x128xf32>
    %add3A_33 = arith.constant 1.000000e+00 : f32
    %add3A_34 = vector.broadcast %add3A_33 : f32 to vector<5120x128xf32>
    %add3A_35 = arith.addf %add3A_34, %exp3A : vector<5120x128xf32>
    %div3A = arith.constant 1.000000e+00 : f32
    %div3A_36 = vector.broadcast %div3A : f32 to vector<5120x128xf32>
    %div3A_37 = arith.divf %div3A_36, %add3A_35 : vector<5120x128xf32>
    %get3A_38 = arith.constant 0 : index
    %get3A_39 = arith.constant 0 : index
    %get3A_40 = vector.load %arg5[%get3A_38, %get3A_39] : memref<128x128xf32, #tpu.memory_space<vmem>>, vector<128x128xf32>
    %convert_element_type3A_41 = arith.truncf %get3A_40 : vector<128x128xf32> to vector<128x128xbf16>
    %dot_general3A_42 = arith.constant dense<0.000000e+00> : vector<5120x128xf32>
    %dot_general3A_43 = tpu.matmul %convert_element_type3A_19, %convert_element_type3A_41, %dot_general3A_42 {dimension_numbers = #tpu.dot_dimension_numbers<[1], [0], [0], [1], [0, 0, 1, 1], [], []>, transpose_lhs_hint = false} : vector<5120x128xbf16>, vector<128x128xbf16>, vector<5120x128xf32> -> vector<5120x128xf32>
    %get3A_44 = arith.constant 0 : index
    %get3A_45 = arith.constant 0 : index
    %get3A_46 = vector.load %arg6[%get3A_44, %get3A_45] : memref<1x128xf32, #tpu.memory_space<vmem>>, vector<1x128xf32>
    %add3A_47 = vector.broadcast %get3A_46 : vector<1x128xf32> to vector<5120x128xf32>
    %add3A_48 = arith.addf %dot_general3A_43, %add3A_47 : vector<5120x128xf32>
    %max3A = arith.constant 0.000000e+00 : f32
    %max3A_49 = vector.broadcast %max3A : f32 to vector<5120x128xf32>
    %max3A_50 = arith.maximumf %add3A_48, %max3A_49 : vector<5120x128xf32>
    %mul3A = arith.mulf %div3A_37, %add3A_18 : vector<5120x128xf32>
    %sub3A = arith.constant 1.000000e+00 : f32
    %sub3A_51 = vector.broadcast %sub3A : f32 to vector<5120x128xf32>
    %sub3A_52 = arith.subf %sub3A_51, %div3A_37 : vector<5120x128xf32>
    %mul3A_53 = arith.mulf %sub3A_52, %max3A_50 : vector<5120x128xf32>
    %add3A_54 = arith.addf %mul3A, %mul3A_53 : vector<5120x128xf32>
    %convert_element_type3A_55 = arith.truncf %add3A_54 : vector<5120x128xf32> to vector<5120x128xbf16>
    %get3A_56 = arith.constant 0 : index
    %get3A_57 = arith.constant 0 : index
    %get3A_58 = vector.load %arg11[%get3A_56, %get3A_57] : memref<128x128xf32, #tpu.memory_space<vmem>>, vector<128x128xf32>
    %convert_element_type3A_59 = arith.truncf %get3A_58 : vector<128x128xf32> to vector<128x128xbf16>
    %dot_general3A_60 = arith.constant dense<0.000000e+00> : vector<5120x128xf32>
    %dot_general3A_61 = tpu.matmul %convert_element_type3A_55, %convert_element_type3A_59, %dot_general3A_60 {dimension_numbers = #tpu.dot_dimension_numbers<[1], [0], [0], [1], [0, 0, 1, 1], [], []>, transpose_lhs_hint = false} : vector<5120x128xbf16>, vector<128x128xbf16>, vector<5120x128xf32> -> vector<5120x128xf32>
    %get3A_62 = arith.constant 0 : index
    %get3A_63 = arith.constant 0 : index
    %get3A_64 = vector.load %arg12[%get3A_62, %get3A_63] : memref<1x128xf32, #tpu.memory_space<vmem>>, vector<1x128xf32>
    %add3A_65 = vector.broadcast %get3A_64 : vector<1x128xf32> to vector<5120x128xf32>
    %add3A_66 = arith.addf %dot_general3A_61, %add3A_65 : vector<5120x128xf32>
    %neg3A_67 = arith.constant 0.000000e+00 : f32
    %neg3A_68 = vector.broadcast %neg3A_67 : f32 to vector<5120x128xf32>
    %neg3A_69 = arith.subf %neg3A_68, %add3A_66 : vector<5120x128xf32>
    %exp3A_70 = math.exp %neg3A_69 : vector<5120x128xf32>
    %add3A_71 = arith.constant 1.000000e+00 : f32
    %add3A_72 = vector.broadcast %add3A_71 : f32 to vector<5120x128xf32>
    %add3A_73 = arith.addf %add3A_72, %exp3A_70 : vector<5120x128xf32>
    %div3A_74 = arith.constant 1.000000e+00 : f32
    %div3A_75 = vector.broadcast %div3A_74 : f32 to vector<5120x128xf32>
    %div3A_76 = arith.divf %div3A_75, %add3A_73 : vector<5120x128xf32>
    %get3A_77 = arith.constant 0 : index
    %get3A_78 = arith.constant 0 : index
    %get3A_79 = vector.load %arg9[%get3A_77, %get3A_78] : memref<128x128xf32, #tpu.memory_space<vmem>>, vector<128x128xf32>
    %convert_element_type3A_80 = arith.truncf %get3A_79 : vector<128x128xf32> to vector<128x128xbf16>
    %dot_general3A_81 = arith.constant dense<0.000000e+00> : vector<5120x128xf32>
    %dot_general3A_82 = tpu.matmul %convert_element_type3A_55, %convert_element_type3A_80, %dot_general3A_81 {dimension_numbers = #tpu.dot_dimension_numbers<[1], [0], [0], [1], [0, 0, 1, 1], [], []>, transpose_lhs_hint = false} : vector<5120x128xbf16>, vector<128x128xbf16>, vector<5120x128xf32> -> vector<5120x128xf32>
    %get3A_83 = arith.constant 0 : index
    %get3A_84 = arith.constant 0 : index
    %get3A_85 = vector.load %arg10[%get3A_83, %get3A_84] : memref<1x128xf32, #tpu.memory_space<vmem>>, vector<1x128xf32>
    %add3A_86 = vector.broadcast %get3A_85 : vector<1x128xf32> to vector<5120x128xf32>
    %add3A_87 = arith.addf %dot_general3A_82, %add3A_86 : vector<5120x128xf32>
    %max3A_88 = arith.constant 0.000000e+00 : f32
    %max3A_89 = vector.broadcast %max3A_88 : f32 to vector<5120x128xf32>
    %max3A_90 = arith.maximumf %add3A_87, %max3A_89 : vector<5120x128xf32>
    %mul3A_91 = arith.mulf %div3A_76, %add3A_54 : vector<5120x128xf32>
    %sub3A_92 = arith.constant 1.000000e+00 : f32
    %sub3A_93 = vector.broadcast %sub3A_92 : f32 to vector<5120x128xf32>
    %sub3A_94 = arith.subf %sub3A_93, %div3A_76 : vector<5120x128xf32>
    %mul3A_95 = arith.mulf %sub3A_94, %max3A_90 : vector<5120x128xf32>
    %add3A_96 = arith.addf %mul3A_91, %mul3A_95 : vector<5120x128xf32>
    %get3A_97 = arith.constant 0 : index
    %get3A_98 = arith.constant 0 : index
    %get3A_99 = arith.constant 0 : index
    %get3A_100 = vector.load %arg13[%get3A_97, %get3A_98, %get3A_99] : memref<5x1x128xf32, #tpu.memory_space<vmem>>, vector<5x1x128xf32>
    %get3A_101 = vector.shape_cast %get3A_100 : vector<5x1x128xf32> to vector<5x128xf32>
    %broadcast_in_dim3A = vector.shape_cast %get3A_101 : vector<5x128xf32> to vector<5x1x128xf32>
    %broadcast_in_dim3A_102 = vector.shape_cast %broadcast_in_dim3A : vector<5x1x128xf32> to vector<5x1x128xf32>
    %broadcast_in_dim3A_103 = vector.broadcast %broadcast_in_dim3A_102 : vector<5x1x128xf32> to vector<5x1024x128xf32>
    %reshape3A = vector.shape_cast %broadcast_in_dim3A_103 : vector<5x1024x128xf32> to vector<5120x128xf32>
    %add3A_104 = arith.addf %add3A_96, %reshape3A : vector<5120x128xf32>
    %swap3A = arith.constant 0 : index
    %swap3A_105 = arith.constant 0 : index
    %swap3A_106 = vector.load %arg14[%swap3A, %swap3A_105] : memref<5120x128xf32, #tpu.memory_space<vmem>>, vector<5120x128xf32>
    tpu.vector_store %arg14[%swap3A, %swap3A_105], %add3A_104 {strides = array<i32>} : memref<5120x128xf32, #tpu.memory_space<vmem>>, vector<5120x128xf32>,
    return
  }
  func.func @transform_0(%arg0: i32) -> (i32, i32) {
    %c0_i32 = arith.constant 0 : i32
    %c0_i32_0 = arith.constant 0 : i32
    return %arg0, %c0_i32 : i32, i32
  }
  func.func @transform_1(%arg0: i32) -> (i32, i32) {
    %c0_i32 = arith.constant 0 : i32
    %c0_i32_0 = arith.constant 0 : i32
    return %arg0, %c0_i32 : i32, i32
  }
  func.func @transform_2(%arg0: i32) -> (i32, i32) {
    %c0_i32 = arith.constant 0 : i32
    %c0_i32_0 = arith.constant 0 : i32
    %c0_i32_1 = arith.constant 0 : i32
    return %c0_i32, %c0_i32_0 : i32, i32
  }
  func.func @transform_3(%arg0: i32) -> (i32, i32) {
    %c0_i32 = arith.constant 0 : i32
    %c0_i32_0 = arith.constant 0 : i32
    %c0_i32_1 = arith.constant 0 : i32
    return %c0_i32, %c0_i32_0 : i32, i32
  }
  func.func @transform_4(%arg0: i32) -> (i32, i32) {
    %c0_i32 = arith.constant 0 : i32
    %c0_i32_0 = arith.constant 0 : i32
    %c0_i32_1 = arith.constant 0 : i32
    return %c0_i32, %c0_i32_0 : i32, i32
  }
  func.func @transform_5(%arg0: i32) -> (i32, i32) {
    %c0_i32 = arith.constant 0 : i32
    %c0_i32_0 = arith.constant 0 : i32
    %c0_i32_1 = arith.constant 0 : i32
    return %c0_i32, %c0_i32_0 : i32, i32
  }
  func.func @transform_6(%arg0: i32) -> (i32, i32) {
    %c0_i32 = arith.constant 0 : i32
    %c0_i32_0 = arith.constant 0 : i32
    %c0_i32_1 = arith.constant 0 : i32
    return %c0_i32, %c0_i32_0 : i32, i32
  }
  func.func @transform_7(%arg0: i32) -> (i32, i32) {
    %c0_i32 = arith.constant 0 : i32
    %c0_i32_0 = arith.constant 0 : i32
    %c0_i32_1 = arith.constant 0 : i32
    return %c0_i32, %c0_i32_0 : i32, i32
  }
  func.func @transform_8(%arg0: i32) -> (i32, i32) {
    %c0_i32 = arith.constant 0 : i32
    %c0_i32_0 = arith.constant 0 : i32
    %c0_i32_1 = arith.constant 0 : i32
    return %c0_i32, %c0_i32_0 : i32, i32
  }
  func.func @transform_9(%arg0: i32) -> (i32, i32) {
    %c0_i32 = arith.constant 0 : i32
    %c0_i32_0 = arith.constant 0 : i32
    %c0_i32_1 = arith.constant 0 : i32
    return %c0_i32, %c0_i32_0 : i32, i32
  }
  func.func @transform_10(%arg0: i32) -> (i32, i32) {
    %c0_i32 = arith.constant 0 : i32
    %c0_i32_0 = arith.constant 0 : i32
    %c0_i32_1 = arith.constant 0 : i32
    return %c0_i32, %c0_i32_0 : i32, i32
  }
  func.func @transform_11(%arg0: i32) -> (i32, i32) {
    %c0_i32 = arith.constant 0 : i32
    %c0_i32_0 = arith.constant 0 : i32
    %c0_i32_1 = arith.constant 0 : i32
    return %c0_i32, %c0_i32_0 : i32, i32
  }
  func.func @transform_12(%arg0: i32) -> (i32, i32, i32) {
    %c0_i32 = arith.constant 0 : i32
    %c0_i32_0 = arith.constant 0 : i32
    %c0_i32_1 = arith.constant 0 : i32
    return %arg0, %c0_i32, %c0_i32_0 : i32, i32, i32
  }
  func.func @transform_13(%arg0: i32) -> (i32, i32) {
    %c0_i32 = arith.constant 0 : i32
    %c0_i32_0 = arith.constant 0 : i32
    return %arg0, %c0_i32 : i32, i32
  }
}

</mosaic_0001>

<sc_bundles>
// kernel: kernel.5.cloned.1.call-start
scs
__scs_entry_jumppad:
0x0: {  	(pc) =	sbr.rel $0x88, $3  }
0x1: {  	(tag) =	ssettag $0x0;
	lr =	simm.s32 $0x1  }
0x2: {  	[smem:$0x3F91] =	sst lr;
	_ =	strace $0xD0000000  }
0x3: {  	_ = 	snop  }
0x4: {  	_ = 	snop  }
0x5: {  	_ = 	snop  }
0x6: {  	_ = 	snop  }
0x7: {  	_ = 	snop  }
__scs_overlays_trampoline_lowered:
0x8: {  	[smem:$0x3FA0] =	sst s0  }
0x9: {  	[smem:$0x3FA1] =	sst s1  }
0xa: {  	[smem:$0x3FA2] =	sst s2  }
0xb: {  	[smem:$0x3FA3] =	sst s3  }
0xc: {  	[smem:$0x3FA4] =	sst s4  }
0xd: {  	[smem:$0x3FA5] =	sst s5  }
0xe: {  	[smem:$0x3FA6] =	sst s6  }
0xf: {  	[smem:$0x3FA7] =	sst s7  }
0x10: {  	[smem:$0x3FA8] =	sst s8  }
0x11: {  	[smem:$0x3FA9] =	sst s9;
	s0 =	simm.s32 @!p0 $0x0  }
0x12: {  	s1 =	sld [smem:$0x3F8F];
	s0 =	simm.s32 @p0 $0x1  }
0x13: {  	[smem:$0x3FAA] =	sst s0;
	s0 =	simm.s32 @!p1 $0x0  }
0x14: {  	s2 =	sld [smem:$0x3F8E];
	s0 =	simm.s32 @p1 $0x1  }
0x15: {  	[smem:$0x3FAB] =	sst s0;
	s0 =	simm.s32 @!p2 $0x0  }
0x16: {  	s3 =	sld [smem:$0x3FDB];
	s0 =	simm.s32 @p2 $0x1  }
0x17: {  	s4 =	simm.s32 $0x1BF5;
	[smem:$0x3FAD] =	sst s0  }
0x18: {  	s0 =	sld [smem:$0x3F90];
	_ =	swait.ge [sflag:s4], $0x0  }
0x19: {  	s7 =	sld [smem:$0x3F91]  }
0x1a: {  	s8 =	sadd.s32 $0xFFFFE003, lr  }
0x1b: {  	s9 =	sadd.s32 $0xFFFFFEF7, lr;
	s5 =	simm.s32 $0xFFFFFFFF;
	p2 =	slt.u32 s8, $0xFFFFF086  }
0x1c: {  	p1 =	slt.u32 s9, $0xF7A;
	s5 =	simm.s32 @!p2 $0x0  }
0x1d: {  	s5 =	simm.s32 @p1 $0x1;
	p0 =	seq.s32 s7, s2  }
0x1e: {  	s7 =	smul.u32 @!p0 $0xF7A, s2;
	p2 =	seq.s32 @!p0 s5, $0x0  }
0x1f: {  	s9 =	smul.u32 $0xF7A, s1;
	s8 =	simm.s32 @!p0 $0x1BF5;
	p2 =	por !p2, p0  }
0x20: {  	[sflag:s8] =	ssyncset.s32 @!p0 $0xFFFFF086;
	s6 =	sadd.s32 @!p0 s3, s7;
	s7 =	simm.s32 @!p0 $0x108  }
0x21: {  	s3 =	sadd.s32 s3, s9;
	s6 =	sadd.s32 @!p0 $0x88, s6;
	s7 =	simm.s32 @p2 $0x1082  }
0x22: {  	[simem:s7], [sflag:s8] =	dma.local @!p0 [hbm:s6], $0xF7A  }
0x23: {  	s9 =	sor.u32 $0xD0000000, s2;
	s6 =	simm.s32 $0x108;
	_ =	swait.ge @!p0 [sflag:s8], $0x0  }
0x24: {  	s3 =	sadd.s32 $0x88, s3;
	s6 =	simm.s32 @!p1 $0x1082;
	[sflag:s4] =	ssyncset.s32 $0xFFFFF086  }
0x25: {  	[simem:s6], [sflag:s4] =	dma.local [hbm:s3], $0xF7A  }
0x26: {  	[smem:$0x3F91] =	sst s1;
	(tag) =	ssettag s2;
	_ =	strace s9  }
0x27: {  	s1 =	sld [smem:$0x3FA1]  }
0x28: {  	s2 =	sld [smem:$0x3FA2]  }
0x29: {  	s4 =	sld [smem:$0x3FA4]  }
0x2a: {  	p0 =	seq.s32 s5, $0x0;
	s5 =	sld [smem:$0x3FA5]  }
0x2b: {  	s6 =	sld [smem:$0x3FA6]  }
0x2c: {  	s7 =	sld [smem:$0x3FA7]  }
0x2d: {  	s3 =	simm.s32 $0x108;
	s8 =	sld [smem:$0x3FA8]  }
0x2e: {  	s3 =	simm.s32 @!p0 $0x1082;
	s9 =	sld [smem:$0x3FA9]  }
0x2f: {  	lr =	sadd.s32 s0, s3;
	s0 =	sld [smem:$0x3FA0]  }
0x30: {  	s3 =	sld [smem:$0x3FA3]  }
0x31: {  	[smem:$0x3FAC] =	sst s10  }
0x32: {  	s10 =	sld [smem:$0x3FAA];
	_ =	sdelay $0x3  }
0x33: {  	p0 =	seq.s32 s10, $0x1;
	s10 =	sld [smem:$0x3FAC];
	_ =	sdelay $0x3  }
0x34: {  	[smem:$0x3FAC] =	sst s10  }
0x35: {  	s10 =	sld [smem:$0x3FAB];
	_ =	sdelay $0x3  }
0x36: {  	p1 =	seq.s32 s10, $0x1;
	s10 =	sld [smem:$0x3FAC];
	_ =	sdelay $0x3  }
0x37: {  	[smem:$0x3FAC] =	sst s10  }
0x38: {  	s10 =	sld [smem:$0x3FAD]  }
0x39: {  	_ = 	snop;
	(pc) =	sbr.ind lr, $3  }
0x3a: {  	_ = 	snop  }
0x3b: {  	_ = 	snop  }
0x3c: {  	p2 =	seq.s32 s10, $0x1;
	s10 =	sld [smem:$0x3FAC]  }
0x3d: {  	_ =	shalt  }
0x3e: {  	_ =	shalt  }
0x3f: {  	_ =	shalt  }
0x40: {  	_ =	shalt  }
0x41: {  	_ =	shalt  }
0x42: {  	_ =	shalt  }
0x43: {  	_ =	shalt  }
0x44: {  	_ =	shalt  }
0x45: {  	_ =	shalt  }
0x46: {  	_ =	shalt  }
0x47: {  	_ =	shalt  }
0x48: {  	_ =	shalt  }
0x49: {  	_ =	shalt  }
0x4a: {  	_ =	shalt  }
0x4b: {  	_ =	shalt  }
0x4c: {  	_ =	shalt  }
0x4d: {  	_ =	shalt  }
0x4e: {  	_ =	shalt  }
0x4f: {  	_ =	shalt  }
0x50: {  	_ =	shalt  }
0x51: {  	_ =	shalt  }
0x52: {  	_ =	shalt  }
0x53: {  	_ =	shalt  }
0x54: {  	_ =	shalt  }
0x55: {  	_ =	shalt  }
0x56: {  	_ =	shalt  }
0x57: {  	_ =	shalt  }
0x58: {  	_ =	shalt  }
0x59: {  	_ =	shalt  }
0x5a: {  	_ =	shalt  }
0x5b: {  	_ =	shalt  }
0x5c: {  	_ =	shalt  }
0x5d: {  	_ =	shalt  }
0x5e: {  	_ =	shalt  }
0x5f: {  	_ =	shalt  }
0x60: {  	_ =	shalt  }
0x61: {  	_ =	shalt  }
0x62: {  	_ =	shalt  }
0x63: {  	_ =	shalt  }
0x64: {  	_ =	shalt  }
0x65: {  	_ =	shalt  }
0x66: {  	_ =	shalt  }
0x67: {  	_ =	shalt  }
0x68: {  	_ =	shalt  }
0x69: {  	_ =	shalt  }
0x6a: {  	_ =	shalt  }
0x6b: {  	_ =	shalt  }
0x6c: {  	_ =	shalt  }
0x6d: {  	_ =	shalt  }
0x6e: {  	_ =	shalt  }
0x6f: {  	_ =	shalt  }
0x70: {  	_ =	shalt  }
0x71: {  	_ =	shalt  }
0x72: {  	_ =	shalt  }
0x73: {  	_ =	shalt  }
0x74: {  	_ =	shalt  }
0x75: {  	_ =	shalt  }
0x76: {  	_ =	shalt  }
0x77: {  	_ =	shalt  }
0x78: {  	_ =	shalt  }
0x79: {  	_ =	shalt  }
0x7a: {  	_ =	shalt  }
0x7b: {  	_ =	shalt  }
0x7c: {  	_ =	shalt  }
0x7d: {  	_ =	shalt  }
0x7e: {  	_ =	shalt  }
0x7f: {  	_ =	shalt  }
0x80: {  	_ =	shalt  }
0x81: {  	_ =	shalt  }
0x82: {  	_ =	shalt  }
0x83: {  	_ =	shalt  }
0x84: {  	_ =	shalt  }
0x85: {  	_ =	shalt  }
0x86: {  	_ =	shalt  }
0x87: {  	_ =	shalt  }
.Lfunc_end0:
.L_simem_size_0:
called_computation_lowered:
.L_overlay_start_0:
0x88: {  	s2 =	sld [smem:$0x3FD9]  }
0x89: {  	s3 =	sld [smem:$0x3FFE];
	_ =	sdelay $0x1  }
0x8a: {  	s1 =	srdreg.scid  }
0x8b: {  	s0 =	sand.u32 $0x1, s1  }
0x8c: {  	s17 =	sshll.u32 s0, $0xA;
	s2 =	sadd.s32 s3, s2  }
0x8d: {  	s2 =	sadd.s32 s2, s17  }
0x8e: {  	[smem:$0x3FB8] =	sst s2  }
0x8f: {  	_ = 	snop  }
0x90: {  	s2 =	sld [smem:$0x3FC7]  }
0x91: {  	s18 =	sld [smem:$0x3FD0];
	(tm) =	ssettm $0x1  }
0x92: {  	s4 =	sld [smem:$0x3FFB];
	_ =	sdelay $0x3  }
0x93: {  	_ =	strace s4  }
0x94: {  	s4 =	sld [smem:$0x3FFC];
	_ =	sdelay $0x3  }
0x95: {  	_ =	strace s4  }
0x96: {  	s4 =	sld [smem:$0x3FFD];
	_ =	sdelay $0x3  }
0x97: {  	_ =	strace s4  }
0x98: {  	_ =	strace $0x8FFFFFFF  }
0x99: {  	s19 =	sld [smem:$0x3FDB];
	_ =	sdelay $0x1  }
0x9a: {  	s5 =	simm.s32 $_scs_section_size  }
0x9b: {  	s6 =	simm.s32 $_size__tile_overlayer_lowered;
	s7 =	simm.s32 $_tile_overlayer_lowered  }
0x9c: {  	s22 =	simm.s32 $0x1BFF;
	s21 =	sshll.u32 s7, $0x1;
	s4 =	sadd.s32 s5, s19  }
0x9d: {  	s8 =	simm.s32 $0x0;
	s20 =	sshll.u32 s6, $0x1;
	s6 =	sadd.s32 s21, s4  }
0x9e: {  	[timem:s8], [sflag:s22] =	dma.local [hbm:s6], s20  }
0x9f: {  	_ =	swait.ge [sflag:s22], s20  }
0xa0: {  	s5 =	ssub.s32 $0x0, s20;
	[sflag:s22] =	ssyncset.done $0x0  }
0xa1: {  	[sflag:s22] =	ssyncadd.s32 s5;
	_ =	sdelay $0x1  }
0xa2: {  	s23 =	simm.s32 $0x1B8B  }
0xa3: {  	_ =	swait.ge [sflag:s23], $0x1  }
0xa4: {  	[sflag:s23] =	ssyncset.done $0x0  }
0xa5: {  	s25 =	simm.s32 $0x1B8E;
	s24 =	sld [smem:$0x3FFE];
	[sflag:s23] =	ssyncadd.s32 $0xFFFFFFFF  }
0xa6: {  	s26 =	simm.s32 $execute0_lowered;
	[smem:$0x3FD2] =	sst s25  }
0xa7: {  	s6 =	sshll.u32 s26, $0x1;
	_ =	strace $0x80000046;
	[dreg:$0x1] =	wrdreg $0xFFFFFFFF  }
0xa8: {  	s28 =	simm.s32 $_size_execute0_lowered;
	s4 =	sadd.s32 s4, s6;
	[dreg:$0x0] =	wrdreg $0x0  }
0xa9: {  	s6 =	sshll.u32 s28, $0x1;
	[dreg:$0x2] =	wrdreg s4  }
0xaa: {  	[dreg:$0x3] =	wrdreg s6  }
0xab: {  	[dreg:$0x4] =	wrdreg $0xC0  }
0xac: {  	_ =	task [dreg:s8], $0x5FFFF  }
0xad: {  	[dreg:$0x1] =	wrdreg $0xFFFFFFFF  }
0xae: {  	[dreg:$0x0] =	wrdreg $0x60  }
0xaf: {  	[dreg:$0x2] =	wrdreg s2  }
0xb0: {  	[dreg:$0x3] =	wrdreg s18  }
0xb1: {  	[dreg:$0x4] =	wrdreg s24  }
0xb2: {  	[dreg:$0x5] =	wrdreg $0x9  }
0xb3: {  	_ =	task.clear_ibuf [dreg:s8], $0x6FFFF;
	_ =	strace $0x90000046  }
0xb4: {  	s29 =	simm.s32 $0x9;
	_ =	strace $0x80000048  }
0xb5: {  	_ =	swait.ge [sflag:s29], $0x1  }
0xb6: {  	[sflag:s29] =	ssyncadd.s32 $0xFFFFFFFF  }
0xb7: {  	_ =	strace $0x90000048  }
0xb8: {  	_ =	sfence  }
0xb9: {  	s30 =	sld [smem:$0x0];
	_ =	sdelay $0x2  }
0xba: {  	s31 =	sshll.u32 s1, $0xD;
	s1 =	sshrl.u32 s1, $0x2  }
0xbb: {  	s3 =	sand.u32 $0x4000, s31;
	s1 =	sadd.s32 s1, s30  }
0xbc: {  	s0 =	sor.u32 s3, s0;
	s1 =	sshll.u32 s1, $0x11  }
0xbd: {  	s0 =	sor.u32 s1, s0  }
0xbe: {  	s0 =	sadd.s32 $0x8F2B, s0  }
0xbf: {  	[sflag:s0] =	ssyncadd.remote.s32 $0x1  }
0xc0: {  	_ =	sfence.sel $0xFFFF  }
0xc1: {  	[dreg:$0x0] =	wrdreg $0xFFFFFFFF;
	(pc) =	sbr.abs _section_cstart, $3  }
0xc2: {  	[dreg:$0x1] =	wrdreg $0xFFFFFFFF  }
0xc3: {  	_ =	task.clear_ibuf [dreg:s8], $0x2FFFF;
	_ =	strace $0x9FFFFFFF  }
0xc4: {  	(tm) =	ssettm $0x7FFFFFFF  }
0xc5: {  	_ =	shalt  }
tec
execute0_lowered:
.L_overlay_start_1:
0x0: {  	(tag) =	ssettag $0x1  }
0x1: {  	s1 =	rddreg [dreg:$0x0]  }
0x2: {  	s4 =	rddreg [dreg:$0x1]  }
0x3: {  	s0 =	stileid.u32;
	s2 =	srdreg.scid  }
0x4: {  	s5 =	rddreg [dreg:$0x2];
	s6 =	sand.u32 $0x1, s2;
	s3 =	sshll.u32 s0, $0x1  }
0x5: {  	s2 =	rddreg [dreg:$0x3];
	s7 =	smul.u32 $0xC800, s0;
	s8 =	sor.u32 s6, s3  }
0x6: {  	s3 =	simm.s32 $0x0;
	s9 =	ssub.s32 $0x2, s6;
	s6 =	smul.u32 $0x6400, s6  }
0x7: {  	s11 =	simm.s32 $0x0;
	s8 =	smul.u32 $0x180, s8;
	[smem:$0x7FF] =	sst s3  }
0x8: {  	s10 =	sshrl.u32 s9, $0x1;
	s7 =	sadd.s32 s7, s5;
	_ =	strace $0x80000047  }
0x9: {  	s31 =	ssub.s32 s9, s10;
	s6 =	sadd.s32 s6, s7;
	s7 =	simm.s32 $0x2  }
0xa: {  	s9 =	simm.s32 $0xC00;
	s10 =	simm.s32 $0x1;
	s4 =	sadd.s32 s4, s8  }
0xb: {  	s5 =	smax.u32 s31, $0x1;
	s6 =	sadd.s32 $0x2200, s6;
	s8 =	simm.s32 $0x50  }
.LBB2_1:
0xc: {  	[tilespmem:s3], [sflag:$0x2] =	stream.linear.gather [hbm4b:s4+s3], $0xA00, $0x38;
	[tilespmem:$0x3400] =	vst v63  }
0xd: {  	_ =	swait.ge [sflag:s7], $0xA00  }
0xe: {  	[sflag:s7] =	ssyncset.done $0x0  }
0xf: {  	s12 =	simm.s32 $0x0;
	[sflag:s7] =	ssyncadd.s32 $0xFFFFF600  }
0x10: {  	[tilespmem:s9], [sflag:$0x1] =	stream.indirect.gather [hbm4b:s1+s8], $0x80, s12, s8, $0xb8;
	[tilespmem:$0x3400] =	vst v63  }
0x11: {  	_ =	swait.ge [sflag:s10], $0x2800  }
0x12: {  	[sflag:s10] =	ssyncset.done $0x0  }
0x13: {  	[sflag:s10] =	ssyncadd.s32 $0xFFFFD800  }
0x14: {  	[hbm4b:s6+s3] =	stream.linear.scatter [tilespmem:s9], [sflag:$0x2], $0x2800, $0x38;
	[tilespmem:$0x3400] =	vst v63  }
0x15: {  	s13 =	simm.s32 $0x200;
	_ =	swait.ge [sflag:s7], $0x2800  }
0x16: {  	s14 =	simm.s32 $0x400;
	s12 =	sadd.s32 $0x500, s6;
	[sflag:s7] =	ssyncset.done $0x0  }
.LBB2_2:
0x17: {  	s15 =	sshra.s32 s13, $0x2  }
0x18: {  	[sflag:s7] =	ssyncadd.s32 $0xFFFFD800;
	s13 =	smov.u32 s14;
	s16 =	sadd.s32 $0x200, s14  }
0x19: {  	[tilespmem:s9], [sflag:$0x1] =	stream.indirect.gather [hbm4b:s1+s8], $0x80, s15, s8, $0xb8;
	[tilespmem:$0x3400] =	vst v63  }
0x1a: {  	p0 =	sne.s32 s14, $0x2600;
	_ =	swait.ge [sflag:s10], $0x2800  }
.Ltmp0:
0x1b: {  	[sflag:s10] =	ssyncset.done $0x0;
	(pc) =	sbr.rel @p0 .LBB2_2-.Ltmp0, $4  }
0x1c: {  	[sflag:s10] =	ssyncadd.s32 $0xFFFFD800  }
0x1d: {  	[hbm4b:s12+s3] =	stream.linear.scatter [tilespmem:s9], [sflag:$0x2], $0x2800, $0x38;
	[tilespmem:$0x3400] =	vst v63  }
0x1e: {  	_ =	swait.ge [sflag:s7], $0x2800  }
0x1f: {  	s14 =	smov.u32 s16;
	s12 =	sadd.s32 $0x500, s12;
	[sflag:s7] =	ssyncset.done $0x0  }
0x20: {  	s13 =	sshra.s32 s13, $0x2;
	[sflag:s7] =	ssyncadd.s32 $0xFFFFD800  }
0x21: {  	[tilespmem:s9], [sflag:$0x1] =	stream.indirect.gather [hbm4b:s1+s8], $0x80, s13, s8, $0xb8;
	[tilespmem:$0x3400] =	vst v63  }
0x22: {  	s11 =	sadd.s32 $0x1, s11;
	_ =	swait.ge [sflag:s10], $0x2800  }
0x23: {  	p0 =	sne.s32 s11, s5;
	[sflag:s10] =	ssyncset.done $0x0  }
.Ltmp1:
0x24: {  	[sflag:s10] =	ssyncadd.s32 $0xFFFFD800;
	(pc) =	sbr.rel @p0 .LBB2_1-.Ltmp1, $4  }
0x25: {  	[hbm4b:s12+s3] =	stream.linear.scatter [tilespmem:s9], [sflag:$0x2], $0x2800, $0x38;
	[tilespmem:$0x3400] =	vst v63  }
0x26: {  	_ =	swait.ge [sflag:s7], $0x2800  }
0x27: {  	[sflag:s7] =	ssyncset.done $0x0  }
0x28: {  	[sflag:s7] =	ssyncadd.s32 $0xFFFFD800  }
0x29: {  	_ =	sfence.sel $0x180000  }
0x2a: {  	[bflag:$0x0] =	sbarrier.arrive $0xFFFF  }
0x2b: {  	p0 =	sne.s32 s0, $0x0;
	_ =	strace $0x90000047  }
0x2c: {  	s0 =	sadd.s32 @!p0 $0x100000, s2;
	[bflag:$0x2] =	sbarrier.arrive $0xFFFF  }
0x2d: {  	[sflag:s0] =	ssyncadd.tile.s32 @!p0 $0x1;
	_ =	shalt  }
.Lfunc_end2:
_tile_overlayer_lowered:
.L_overlay_start_2:
0x2e: {  	(tag) =	ssettag $0x2  }
0x2f: {  	s0 =	rddreg [dreg:$0x0];
	s2 =	stileid.u32  }
0x30: {  	s1 =	rddreg [dreg:$0x1];
	p0 =	sne.s32 s2, $0x0  }
0x31: {  	s3 =	rddreg [dreg:$0x2];
	[bflag:$0x3] =	sbarrier.arrive $0xFFFF;
	s2 =	simm.s32 @!p0 $0x1C02  }
0x32: {  	[timem:s3], [sflag:s2] =	dma.local @!p0 [hbm:s0], s1  }
0x33: {  	s0 =	simm.s32 @!p0 $0x2  }
0x34: {  	_ =	swait.ge @!p0 [sflag:s0], s1  }
0x35: {  	s1 =	ssub.s32 @!p0 $0x0, s1;
	[sflag:s0] =	ssyncset.done @!p0 $0x0  }
0x36: {  	[sflag:s0] =	ssyncadd.s32 @!p0 s1  }
0x37: {  	[bflag:$0x3] =	sbarrier.arrive $0xFFFF  }
0x38: {  	_ =	shalt  }

</sc_bundles>
